<compile_context>
chip_gen: v7x
topology: tpu7x:2x2x1
jax: 0.10.2.dev20260603
libtpu: 0.0.44.dev20260713+nightly
codegen_flags: <defaults>
</compile_context>

<pallas_src>
import jax
import jax.numpy as jnp
from jax.experimental import pallas as pl

POOL = 128
SEL = 5
PLEN = 5
DIM = 768
ITERS = 10
NPTS = 1025
NPAD = 1032
NQ = 1024
PD = PLEN * DIM
GROWS = NQ * SEL
GCHUNK = 256


def _mm_bt(a, b):
    return jax.lax.dot_general(a, b, (((1,), (1,)), ((), ())),
                               preferred_element_type=jnp.float32)


def _mm_at(a, b):
    return jax.lax.dot_general(a, b, (((0,), (0,)), ((), ())),
                               precision=jax.lax.Precision.HIGHEST,
                               preferred_element_type=jnp.float32)


def _main_kernel(keys_ref, x_ref, pr_ref, dist_ref, idx_ref, pm_ref):
    pts = keys_ref[...]
    row_ids = jax.lax.broadcasted_iota(jnp.int32, (NPAD, 1), 0)
    valid = (row_ids < NPTS).astype(jnp.float32)
    p2 = jnp.sum(pts * pts, axis=1, keepdims=True)
    cluster_ids = jax.lax.broadcasted_iota(jnp.int32, (NPAD, POOL), 1)
    ones_col = jnp.ones((NPAD, 1), jnp.float32)
    ones_row_d = jnp.ones((1, DIM), jnp.float32)

    def assign_onehot(cents):
        c2_row = jax.lax.dot_general(
            ones_row_d, cents * cents, (((1,), (1,)), ((), ())),
            precision=jax.lax.Precision.HIGHEST,
            preferred_element_type=jnp.float32)
        d = p2 - 2.0 * _mm_bt(pts, cents) + c2_row
        m = jnp.min(d, axis=1, keepdims=True)
        a_col = jnp.min(jnp.where(d == m, cluster_ids, POOL),
                        axis=1, keepdims=True)
        return (cluster_ids == a_col).astype(jnp.float32) * valid

    def body(_, cents):
        onehot = assign_onehot(cents)
        counts = _mm_at(onehot, ones_col)
        sums = _mm_at(onehot, pts)
        return jnp.where(counts > 0.0,
                         sums / jnp.maximum(counts, 1.0), cents)

    cents = jax.lax.fori_loop(0, ITERS, body, pts[:POOL, :])
    onehot = assign_onehot(cents)
    denom = jnp.maximum(_mm_at(onehot, ones_col), 1.0)
    key_m = _mm_at(onehot, pts) / denom
    pm_ref[...] = _mm_at(onehot, pr_ref[...]) / denom

    x = x_ref[...]
    xn = x / jnp.maximum(jnp.sqrt(jnp.sum(x * x, axis=1, keepdims=True)), 1e-8)
    kn = key_m / jnp.maximum(
        jnp.sqrt(jnp.sum(key_m * key_m, axis=1, keepdims=True)), 1e-8)
    dist = 1.0 - _mm_bt(xn, kn)
    cols = jax.lax.broadcasted_iota(jnp.int32, (NQ, POOL), 1)
    vals, idxs = [], []
    for _ in range(SEL):
        m = jnp.min(dist, axis=1, keepdims=True)
        a_col = jnp.min(jnp.where(dist == m, cols, POOL),
                        axis=1, keepdims=True)
        vals.append(m)
        idxs.append(a_col)
        dist = jnp.where(cols == a_col, jnp.float32(jnp.inf), dist)
    dist_ref[...] = jnp.concatenate(vals, axis=1)
    idx_ref[...] = jnp.concatenate(idxs, axis=1)


def _gather_kernel(idx_ref, pm_ref, out_ref):
    idx_row = idx_ref[0]
    pool_iota = jax.lax.broadcasted_iota(jnp.int32, (POOL, GCHUNK), 0)
    oh_t = (pool_iota == idx_row).astype(jnp.float32)
    out_ref[...] = _mm_at(oh_t, pm_ref[...])


def kernel(x, key_buf, prompts_buf, num_selections, new_prompts):
    key_all = jnp.concatenate([key_buf, x], axis=0)
    keys_pad = jnp.pad(key_all, ((0, NPAD - NPTS), (0, 0)))
    pr_flat = jnp.concatenate([prompts_buf.reshape(1, PD),
                               new_prompts.reshape(NQ, PD)], axis=0)
    pr_pad = jnp.pad(pr_flat, ((0, NPAD - NPTS), (0, 0)))

    dist_sel, topk, pm = pl.pallas_call(
        _main_kernel,
        out_shape=[
            jax.ShapeDtypeStruct((NQ, SEL), jnp.float32),
            jax.ShapeDtypeStruct((NQ, SEL), jnp.int32),
            jax.ShapeDtypeStruct((POOL, PD), jnp.float32),
        ],
    )(keys_pad, x, pr_pad)

    idx3 = topk.reshape(GROWS // GCHUNK, 1, GCHUNK)
    gathered = pl.pallas_call(
        _gather_kernel,
        grid=(GROWS // GCHUNK,),
        in_specs=[pl.BlockSpec((1, 1, GCHUNK), lambda i: (i, 0, 0)),
                  pl.BlockSpec((POOL, PD), lambda i: (0, 0))],
        out_specs=pl.BlockSpec((GCHUNK, PD), lambda i: (i, 0)),
        out_shape=jax.ShapeDtypeStruct((GROWS, PD), jnp.float32),
    )(idx3, pm)
    prompt = gathered.reshape(NQ, SEL, PLEN, DIM)
    return dist_sel, prompt

# --- scband reference (transcript-rebuilt; emitter-appended) ---
"""Pipeline reference for scband-prompt-pool-17815524344308 (READ-ONLY COPY).

The authoritative reference and input builder live on the scoring server;
editing this copy changes nothing except your own understanding.
"""

import jax, jax.numpy as jnp
import numpy as np

POOL_SIZE = 128
SELECTION_SIZE = 5
PROMPT_LEN = 5
PROMPT_DIM = 768
KMEANS_ITERS = 10


def _cos_dist(x, key):
    xn = x / jnp.maximum(jnp.linalg.norm(x, axis=-1, keepdims=True), 1e-8)
    kn = key / jnp.maximum(jnp.linalg.norm(key, axis=-1, keepdims=True), 1e-8)
    return 1.0 - xn @ kn.T


def _kmeans_assign(points, n_clusters, iters=KMEANS_ITERS):
    # Lloyd's kmeans with first-K init (stand-in for sklearn KMeans in the torch code)
    centroids = points[:n_clusters]
    ones = jnp.ones((points.shape[0],), points.dtype)
    p2 = (points ** 2).sum(-1, keepdims=True)
    for _ in range(iters):
        d = p2 - 2.0 * (points @ centroids.T) + (centroids ** 2).sum(-1)[None, :]
        assign = jnp.argmin(d, axis=1)
        sums = jax.ops.segment_sum(points, assign, num_segments=n_clusters)
        counts = jax.ops.segment_sum(ones, assign, num_segments=n_clusters)
        centroids = jnp.where(counts[:, None] > 0, sums / jnp.maximum(counts, 1.0)[:, None], centroids)
    d = p2 - 2.0 * (points @ centroids.T) + (centroids ** 2).sum(-1)[None, :]
    return jnp.argmin(d, axis=1)


def _forward(x, key_buf, prompts_buf, num_selections, new_prompts):
    B, D = x.shape
    # first distance pass (sim, idx unused downstream, matches torch)
    _ = _cos_dist(x, key_buf)
    # add_prompt
    key_all = jnp.concatenate([key_buf, x], axis=0)
    prompts_all = jnp.concatenate([prompts_buf, new_prompts], axis=0)
    num_all = jnp.concatenate([num_selections, jnp.zeros((B,), x.dtype)], axis=0)
    # merge_prompt via kmeans cluster means
    assign = _kmeans_assign(key_all, POOL_SIZE)
    ones = jnp.ones((key_all.shape[0],), x.dtype)
    counts = jax.ops.segment_sum(ones, assign, num_segments=POOL_SIZE)
    denom = jnp.maximum(counts, 1.0)
    key_m = jax.ops.segment_sum(key_all, assign, num_segments=POOL_SIZE) / denom[:, None]
    n_all = prompts_all.shape[0]
    pr_flat = prompts_all.reshape(n_all, -1)
    prompts_m = (jax.ops.segment_sum(pr_flat, assign, num_segments=POOL_SIZE) / denom[:, None]).reshape(POOL_SIZE, PROMPT_LEN, D)
    num_m = jax.ops.segment_sum(num_all, assign, num_segments=POOL_SIZE)
    # selection: smallest-distance topk
    dist = _cos_dist(x, key_m)
    neg_vals, topk = jax.lax.top_k(-dist, SELECTION_SIZE)
    dist_sel = -neg_vals
    prompt = prompts_m[topk]
    num_m = num_m + jnp.bincount(topk.reshape(-1), length=POOL_SIZE).astype(num_m.dtype)
    return dist_sel, prompt


def setup_inputs(seed: int = 0) -> dict:
    key = jax.random.key(seed)
    k1, k2, k3, k4 = jax.random.split(key, 4)
    return {
        "x": jax.random.normal(k1, (1024, PROMPT_DIM), dtype=jnp.float32),
        "key_buf": jax.random.normal(k2, (1, PROMPT_DIM), dtype=jnp.float32),
        "prompts_buf": jax.random.normal(k3, (1, PROMPT_LEN, PROMPT_DIM), dtype=jnp.float32),
        "num_selections": jnp.zeros((1,), dtype=jnp.float32),
        "new_prompts": jax.random.normal(k4, (1024, PROMPT_LEN, PROMPT_DIM), dtype=jnp.float32),
    }


def reference(x, key_buf, prompts_buf, num_selections, new_prompts):
    return _forward(x, key_buf, prompts_buf, num_selections, new_prompts)

if __name__ == "__main__":
    import jax
    _d = setup_inputs()
    print(jax.jit(kernel)(*tuple(_d.values())))

</pallas_src>

<mosaic_0001>
module attributes {stable_mosaic.version = 14 : i64} {
  func.func @_main_kernel(%arg0: memref<1032x768xf32, #tpu.memory_space<vmem>>, %arg1: memref<1024x768xf32, #tpu.memory_space<vmem>>, %arg2: memref<1032x3840xf32, #tpu.memory_space<vmem>>, %arg3: memref<1024x5xf32, #tpu.memory_space<vmem>>, %arg4: memref<1024x5xi32, #tpu.memory_space<vmem>>, %arg5: memref<128x3840xf32, #tpu.memory_space<vmem>>) attributes {dimension_semantics = [], scalar_prefetch = 0 : i64, scratch_operands = 0 : i64, tpu.core_type = #tpu.core_type<tc>} {
    %get3A = arith.constant 0 : index
    %get3A_0 = arith.constant 0 : index
    %get3A_1 = vector.load %arg0[%get3A, %get3A_0] : memref<1032x768xf32, #tpu.memory_space<vmem>>, vector<1032x768xf32>
    %iota3A = tpu.iota {dimensions = array<i32: 0>} : vector<1032x1xi32>
    %lt3A = arith.constant 1025 : i32
    %lt3A_2 = vector.broadcast %lt3A : i32 to vector<1032x1xi32>
    %lt3A_3 = arith.cmpi slt, %iota3A, %lt3A_2 : vector<1032x1xi32>
    %convert_element_type3A = arith.extui %lt3A_3 : vector<1032x1xi1> to vector<1032x1xi32>
    %convert_element_type3A_4 = arith.sitofp %convert_element_type3A : vector<1032x1xi32> to vector<1032x1xf32>
    %mul3A = arith.mulf %get3A_1, %get3A_1 : vector<1032x768xf32>
    %reduce_sum3A = arith.constant dense<0.000000e+00> : vector<1032xf32>
    %reduce_sum3A_5 = vector.multi_reduction <add>, %mul3A, %reduce_sum3A [1] : vector<1032x768xf32> to vector<1032xf32>
    %broadcast_in_dim3A = vector.shape_cast %reduce_sum3A_5 : vector<1032xf32> to vector<1032x1xf32>
    %iota3A_6 = tpu.iota {dimensions = array<i32: 1>} : vector<1032x128xi32>
    %broadcast_in_dim3A_7 = arith.constant 1.000000e+00 : f32
    %broadcast_in_dim3A_8 = vector.broadcast %broadcast_in_dim3A_7 : f32 to vector<1032x1xf32>
    %broadcast_in_dim3A_9 = arith.constant 1.000000e+00 : f32
    %broadcast_in_dim3A_10 = vector.broadcast %broadcast_in_dim3A_9 : f32 to vector<1x768xf32>
    %slice3A = vector.extract_strided_slice %get3A_1 {offsets = [0, 0], sizes = [128, 768], strides = [1, 1]} : vector<1032x768xf32> to vector<128x768xf32>
    %scan3A = arith.constant 0 : i32
    %scan3A_11 = arith.constant 10 : i32
    %scan3A_12 = arith.addi %scan3A, %scan3A_11 : i32
    %scan3A_13 = arith.constant 1 : i32
    %scan3A_14 = scf.for %scan3A_163 = %scan3A to %scan3A_12 step %scan3A_13 iter_args(%scan3A_164 = %slice3A) -> (vector<128x768xf32>)  : i32 {
      %mul3A_165 = arith.mulf %scan3A_164, %scan3A_164 : vector<128x768xf32>
      %dot_general3A_166 = arith.constant dense<0.000000e+00> : vector<1x128xf32>
      %dot_general3A_167 = tpu.matmul %broadcast_in_dim3A_10, %mul3A_165, %dot_general3A_166 {dimension_numbers = #tpu.dot_dimension_numbers<[1], [1], [0], [0], [0, 0, 1, 0], [], []>, precision = #tpu.contract_precision<fp32>, transpose_lhs_hint = false} : vector<1x768xf32>, vector<128x768xf32>, vector<1x128xf32> -> vector<1x128xf32>
      %dot_general3A_168 = arith.constant dense<0.000000e+00> : vector<1032x128xf32>
      %dot_general3A_169 = tpu.matmul %get3A_1, %scan3A_164, %dot_general3A_168 {dimension_numbers = #tpu.dot_dimension_numbers<[1], [1], [0], [0], [0, 0, 1, 0], [], []>, transpose_lhs_hint = false} : vector<1032x768xf32>, vector<128x768xf32>, vector<1032x128xf32> -> vector<1032x128xf32>
      %mul3A_170 = arith.constant 2.000000e+00 : f32
      %mul3A_171 = vector.broadcast %mul3A_170 : f32 to vector<1032x128xf32>
      %mul3A_172 = arith.mulf %mul3A_171, %dot_general3A_169 : vector<1032x128xf32>
      %sub3A_173 = vector.broadcast %broadcast_in_dim3A : vector<1032x1xf32> to vector<1032x128xf32>
      %sub3A_174 = arith.subf %sub3A_173, %mul3A_172 : vector<1032x128xf32>
      %add3A_175 = vector.broadcast %dot_general3A_167 : vector<1x128xf32> to vector<1032x128xf32>
      %add3A_176 = arith.addf %sub3A_174, %add3A_175 : vector<1032x128xf32>
      %reduce_min3A_177 = arith.constant dense<0x7F800000> : vector<1032xf32>
      %reduce_min3A_178 = vector.multi_reduction <minimumf>, %add3A_176, %reduce_min3A_177 [1] : vector<1032x128xf32> to vector<1032xf32>
      %broadcast_in_dim3A_179 = vector.shape_cast %reduce_min3A_178 : vector<1032xf32> to vector<1032x1xf32>
      %eq3A_180 = vector.broadcast %broadcast_in_dim3A_179 : vector<1032x1xf32> to vector<1032x128xf32>
      %eq3A_181 = arith.cmpf oeq, %add3A_176, %eq3A_180 : vector<1032x128xf32>
      %jit3A_182 = arith.constant 128 : i32
      %broadcast_in_dim3A_183 = vector.broadcast %jit3A_182 : i32 to vector<1032x128xi32>
      %select_n3A_184 = arith.select %eq3A_181, %iota3A_6, %broadcast_in_dim3A_183 : vector<1032x128xi1>, vector<1032x128xi32>
      %reduce_min3A_185 = arith.constant dense<2147483647> : vector<1032xi32>
      %reduce_min3A_186 = vector.multi_reduction <minsi>, %select_n3A_184, %reduce_min3A_185 [1] : vector<1032x128xi32> to vector<1032xi32>
      %broadcast_in_dim3A_187 = vector.shape_cast %reduce_min3A_186 : vector<1032xi32> to vector<1032x1xi32>
      %eq3A_188 = vector.broadcast %broadcast_in_dim3A_187 : vector<1032x1xi32> to vector<1032x128xi32>
      %eq3A_189 = arith.cmpi eq, %iota3A_6, %eq3A_188 : vector<1032x128xi32>
      %convert_element_type3A_190 = arith.extui %eq3A_189 : vector<1032x128xi1> to vector<1032x128xi32>
      %convert_element_type3A_191 = arith.sitofp %convert_element_type3A_190 : vector<1032x128xi32> to vector<1032x128xf32>
      %mul3A_192 = vector.broadcast %convert_element_type3A_4 : vector<1032x1xf32> to vector<1032x128xf32>
      %mul3A_193 = arith.mulf %convert_element_type3A_191, %mul3A_192 : vector<1032x128xf32>
      %dot_general3A_194 = arith.constant dense<0.000000e+00> : vector<128x1xf32>
      %dot_general3A_195 = tpu.matmul %mul3A_193, %broadcast_in_dim3A_8, %dot_general3A_194 {dimension_numbers = #tpu.dot_dimension_numbers<[0], [0], [1], [1], [0, 1, 1, 1], [], []>, precision = #tpu.contract_precision<fp32>, transpose_lhs_hint = false} : vector<1032x128xf32>, vector<1032x1xf32>, vector<128x1xf32> -> vector<128x1xf32>
      %dot_general3A_196 = arith.constant dense<0.000000e+00> : vector<128x768xf32>
      %dot_general3A_197 = tpu.matmul %mul3A_193, %get3A_1, %dot_general3A_196 {dimension_numbers = #tpu.dot_dimension_numbers<[0], [0], [1], [1], [0, 1, 1, 1], [], []>, precision = #tpu.contract_precision<fp32>, transpose_lhs_hint = false} : vector<1032x128xf32>, vector<1032x768xf32>, vector<128x768xf32> -> vector<128x768xf32>
      %gt3A = arith.constant 0.000000e+00 : f32
      %gt3A_198 = vector.broadcast %gt3A : f32 to vector<128x1xf32>
      %gt3A_199 = arith.cmpf ogt, %dot_general3A_195, %gt3A_198 : vector<128x1xf32>
      %max3A_200 = arith.constant 1.000000e+00 : f32
      %max3A_201 = vector.broadcast %max3A_200 : f32 to vector<128x1xf32>
      %max3A_202 = arith.maximumf %dot_general3A_195, %max3A_201 : vector<128x1xf32>
      %div3A_203 = vector.broadcast %max3A_202 : vector<128x1xf32> to vector<128x768xf32>
      %div3A_204 = arith.divf %dot_general3A_197, %div3A_203 : vector<128x768xf32>
      %broadcast_in_dim3A_205 = vector.shape_cast %gt3A_199 : vector<128x1xi1> to vector<128x1xi1>
      %broadcast_in_dim3A_206 = vector.broadcast %broadcast_in_dim3A_205 : vector<128x1xi1> to vector<128x768xi1>
      %select_n3A_207 = arith.select %broadcast_in_dim3A_206, %div3A_204, %scan3A_164 : vector<128x768xi1>, vector<128x768xf32>
      scf.yield %select_n3A_207 : vector<128x768xf32>
    }
    %mul3A_15 = arith.mulf %scan3A_14, %scan3A_14 : vector<128x768xf32>
    %dot_general3A = arith.constant dense<0.000000e+00> : vector<1x128xf32>
    %dot_general3A_16 = tpu.matmul %broadcast_in_dim3A_10, %mul3A_15, %dot_general3A {dimension_numbers = #tpu.dot_dimension_numbers<[1], [1], [0], [0], [0, 0, 1, 0], [], []>, precision = #tpu.contract_precision<fp32>, transpose_lhs_hint = false} : vector<1x768xf32>, vector<128x768xf32>, vector<1x128xf32> -> vector<1x128xf32>
    %dot_general3A_17 = arith.constant dense<0.000000e+00> : vector<1032x128xf32>
    %dot_general3A_18 = tpu.matmul %get3A_1, %scan3A_14, %dot_general3A_17 {dimension_numbers = #tpu.dot_dimension_numbers<[1], [1], [0], [0], [0, 0, 1, 0], [], []>, transpose_lhs_hint = false} : vector<1032x768xf32>, vector<128x768xf32>, vector<1032x128xf32> -> vector<1032x128xf32>
    %mul3A_19 = arith.constant 2.000000e+00 : f32
    %mul3A_20 = vector.broadcast %mul3A_19 : f32 to vector<1032x128xf32>
    %mul3A_21 = arith.mulf %mul3A_20, %dot_general3A_18 : vector<1032x128xf32>
    %sub3A = vector.broadcast %broadcast_in_dim3A : vector<1032x1xf32> to vector<1032x128xf32>
    %sub3A_22 = arith.subf %sub3A, %mul3A_21 : vector<1032x128xf32>
    %add3A = vector.broadcast %dot_general3A_16 : vector<1x128xf32> to vector<1032x128xf32>
    %add3A_23 = arith.addf %sub3A_22, %add3A : vector<1032x128xf32>
    %reduce_min3A = arith.constant dense<0x7F800000> : vector<1032xf32>
    %reduce_min3A_24 = vector.multi_reduction <minimumf>, %add3A_23, %reduce_min3A [1] : vector<1032x128xf32> to vector<1032xf32>
    %broadcast_in_dim3A_25 = vector.shape_cast %reduce_min3A_24 : vector<1032xf32> to vector<1032x1xf32>
    %eq3A = vector.broadcast %broadcast_in_dim3A_25 : vector<1032x1xf32> to vector<1032x128xf32>
    %eq3A_26 = arith.cmpf oeq, %add3A_23, %eq3A : vector<1032x128xf32>
    %jit3A = arith.constant 128 : i32
    %broadcast_in_dim3A_27 = vector.broadcast %jit3A : i32 to vector<1032x128xi32>
    %select_n3A = arith.select %eq3A_26, %iota3A_6, %broadcast_in_dim3A_27 : vector<1032x128xi1>, vector<1032x128xi32>
    %reduce_min3A_28 = arith.constant dense<2147483647> : vector<1032xi32>
    %reduce_min3A_29 = vector.multi_reduction <minsi>, %select_n3A, %reduce_min3A_28 [1] : vector<1032x128xi32> to vector<1032xi32>
    %broadcast_in_dim3A_30 = vector.shape_cast %reduce_min3A_29 : vector<1032xi32> to vector<1032x1xi32>
    %eq3A_31 = vector.broadcast %broadcast_in_dim3A_30 : vector<1032x1xi32> to vector<1032x128xi32>
    %eq3A_32 = arith.cmpi eq, %iota3A_6, %eq3A_31 : vector<1032x128xi32>
    %convert_element_type3A_33 = arith.extui %eq3A_32 : vector<1032x128xi1> to vector<1032x128xi32>
    %convert_element_type3A_34 = arith.sitofp %convert_element_type3A_33 : vector<1032x128xi32> to vector<1032x128xf32>
    %mul3A_35 = vector.broadcast %convert_element_type3A_4 : vector<1032x1xf32> to vector<1032x128xf32>
    %mul3A_36 = arith.mulf %convert_element_type3A_34, %mul3A_35 : vector<1032x128xf32>
    %dot_general3A_37 = arith.constant dense<0.000000e+00> : vector<128x1xf32>
    %dot_general3A_38 = tpu.matmul %mul3A_36, %broadcast_in_dim3A_8, %dot_general3A_37 {dimension_numbers = #tpu.dot_dimension_numbers<[0], [0], [1], [1], [0, 1, 1, 1], [], []>, precision = #tpu.contract_precision<fp32>, transpose_lhs_hint = false} : vector<1032x128xf32>, vector<1032x1xf32>, vector<128x1xf32> -> vector<128x1xf32>
    %max3A = arith.constant 1.000000e+00 : f32
    %max3A_39 = vector.broadcast %max3A : f32 to vector<128x1xf32>
    %max3A_40 = arith.maximumf %dot_general3A_38, %max3A_39 : vector<128x1xf32>
    %dot_general3A_41 = arith.constant dense<0.000000e+00> : vector<128x768xf32>
    %dot_general3A_42 = tpu.matmul %mul3A_36, %get3A_1, %dot_general3A_41 {dimension_numbers = #tpu.dot_dimension_numbers<[0], [0], [1], [1], [0, 1, 1, 1], [], []>, precision = #tpu.contract_precision<fp32>, transpose_lhs_hint = false} : vector<1032x128xf32>, vector<1032x768xf32>, vector<128x768xf32> -> vector<128x768xf32>
    %div3A = vector.broadcast %max3A_40 : vector<128x1xf32> to vector<128x768xf32>
    %div3A_43 = arith.divf %dot_general3A_42, %div3A : vector<128x768xf32>
    %get3A_44 = arith.constant 0 : index
    %get3A_45 = arith.constant 0 : index
    %get3A_46 = vector.load %arg2[%get3A_44, %get3A_45] : memref<1032x3840xf32, #tpu.memory_space<vmem>>, vector<1032x3840xf32>
    %dot_general3A_47 = arith.constant dense<0.000000e+00> : vector<128x3840xf32>
    %dot_general3A_48 = tpu.matmul %mul3A_36, %get3A_46, %dot_general3A_47 {dimension_numbers = #tpu.dot_dimension_numbers<[0], [0], [1], [1], [0, 1, 1, 1], [], []>, precision = #tpu.contract_precision<fp32>, transpose_lhs_hint = false} : vector<1032x128xf32>, vector<1032x3840xf32>, vector<128x3840xf32> -> vector<128x3840xf32>
    %div3A_49 = vector.broadcast %max3A_40 : vector<128x1xf32> to vector<128x3840xf32>
    %div3A_50 = arith.divf %dot_general3A_48, %div3A_49 : vector<128x3840xf32>
    %swap3A = arith.constant 0 : index
    %swap3A_51 = arith.constant 0 : index
    %swap3A_52 = vector.load %arg5[%swap3A, %swap3A_51] : memref<128x3840xf32, #tpu.memory_space<vmem>>, vector<128x3840xf32>
    tpu.vector_store %arg5[%swap3A, %swap3A_51], %div3A_50 {strides = array<i32>} : memref<128x3840xf32, #tpu.memory_space<vmem>>, vector<128x3840xf32>,
    %get3A_53 = arith.constant 0 : index
    %get3A_54 = arith.constant 0 : index
    %get3A_55 = vector.load %arg1[%get3A_53, %get3A_54] : memref<1024x768xf32, #tpu.memory_space<vmem>>, vector<1024x768xf32>
    %mul3A_56 = arith.mulf %get3A_55, %get3A_55 : vector<1024x768xf32>
    %reduce_sum3A_57 = arith.constant dense<0.000000e+00> : vector<1024xf32>
    %reduce_sum3A_58 = vector.multi_reduction <add>, %mul3A_56, %reduce_sum3A_57 [1] : vector<1024x768xf32> to vector<1024xf32>
    %broadcast_in_dim3A_59 = vector.shape_cast %reduce_sum3A_58 : vector<1024xf32> to vector<1024x1xf32>
    %sqrt3A = math.sqrt %broadcast_in_dim3A_59 : vector<1024x1xf32>
    %max3A_60 = arith.constant 9.99999993E-9 : f32
    %max3A_61 = vector.broadcast %max3A_60 : f32 to vector<1024x1xf32>
    %max3A_62 = arith.maximumf %sqrt3A, %max3A_61 : vector<1024x1xf32>
    %div3A_63 = vector.broadcast %max3A_62 : vector<1024x1xf32> to vector<1024x768xf32>
    %div3A_64 = arith.divf %get3A_55, %div3A_63 : vector<1024x768xf32>
    %mul3A_65 = arith.mulf %div3A_43, %div3A_43 : vector<128x768xf32>
    %reduce_sum3A_66 = arith.constant dense<0.000000e+00> : vector<128xf32>
    %reduce_sum3A_67 = vector.multi_reduction <add>, %mul3A_65, %reduce_sum3A_66 [1] : vector<128x768xf32> to vector<128xf32>
    %broadcast_in_dim3A_68 = vector.shape_cast %reduce_sum3A_67 : vector<128xf32> to vector<128x1xf32>
    %sqrt3A_69 = math.sqrt %broadcast_in_dim3A_68 : vector<128x1xf32>
    %max3A_70 = arith.constant 9.99999993E-9 : f32
    %max3A_71 = vector.broadcast %max3A_70 : f32 to vector<128x1xf32>
    %max3A_72 = arith.maximumf %sqrt3A_69, %max3A_71 : vector<128x1xf32>
    %div3A_73 = vector.broadcast %max3A_72 : vector<128x1xf32> to vector<128x768xf32>
    %div3A_74 = arith.divf %div3A_43, %div3A_73 : vector<128x768xf32>
    %dot_general3A_75 = arith.constant dense<0.000000e+00> : vector<1024x128xf32>
    %dot_general3A_76 = tpu.matmul %div3A_64, %div3A_74, %dot_general3A_75 {dimension_numbers = #tpu.dot_dimension_numbers<[1], [1], [0], [0], [0, 0, 1, 0], [], []>, transpose_lhs_hint = false} : vector<1024x768xf32>, vector<128x768xf32>, vector<1024x128xf32> -> vector<1024x128xf32>
    %sub3A_77 = arith.constant 1.000000e+00 : f32
    %sub3A_78 = vector.broadcast %sub3A_77 : f32 to vector<1024x128xf32>
    %sub3A_79 = arith.subf %sub3A_78, %dot_general3A_76 : vector<1024x128xf32>
    %iota3A_80 = tpu.iota {dimensions = array<i32: 1>} : vector<1024x128xi32>
    %reduce_min3A_81 = arith.constant dense<0x7F800000> : vector<1024xf32>
    %reduce_min3A_82 = vector.multi_reduction <minimumf>, %sub3A_79, %reduce_min3A_81 [1] : vector<1024x128xf32> to vector<1024xf32>
    %broadcast_in_dim3A_83 = vector.shape_cast %reduce_min3A_82 : vector<1024xf32> to vector<1024x1xf32>
    %eq3A_84 = vector.broadcast %broadcast_in_dim3A_83 : vector<1024x1xf32> to vector<1024x128xf32>
    %eq3A_85 = arith.cmpf oeq, %sub3A_79, %eq3A_84 : vector<1024x128xf32>
    %jit3A_86 = arith.constant 128 : i32
    %broadcast_in_dim3A_87 = vector.broadcast %jit3A_86 : i32 to vector<1024x128xi32>
    %select_n3A_88 = arith.select %eq3A_85, %iota3A_80, %broadcast_in_dim3A_87 : vector<1024x128xi1>, vector<1024x128xi32>
    %reduce_min3A_89 = arith.constant dense<2147483647> : vector<1024xi32>
    %reduce_min3A_90 = vector.multi_reduction <minsi>, %select_n3A_88, %reduce_min3A_89 [1] : vector<1024x128xi32> to vector<1024xi32>
    %broadcast_in_dim3A_91 = vector.shape_cast %reduce_min3A_90 : vector<1024xi32> to vector<1024x1xi32>
    %eq3A_92 = vector.broadcast %broadcast_in_dim3A_91 : vector<1024x1xi32> to vector<1024x128xi32>
    %eq3A_93 = arith.cmpi eq, %iota3A_80, %eq3A_92 : vector<1024x128xi32>
    %jit3A_94 = arith.constant 0x7F800000 : f32
    %broadcast_in_dim3A_95 = vector.broadcast %jit3A_94 : f32 to vector<1024x128xf32>
    %select_n3A_96 = arith.select %eq3A_93, %broadcast_in_dim3A_95, %sub3A_79 : vector<1024x128xi1>, vector<1024x128xf32>
    %reduce_min3A_97 = arith.constant dense<0x7F800000> : vector<1024xf32>
    %reduce_min3A_98 = vector.multi_reduction <minimumf>, %select_n3A_96, %reduce_min3A_97 [1] : vector<1024x128xf32> to vector<1024xf32>
    %broadcast_in_dim3A_99 = vector.shape_cast %reduce_min3A_98 : vector<1024xf32> to vector<1024x1xf32>
    %eq3A_100 = vector.broadcast %broadcast_in_dim3A_99 : vector<1024x1xf32> to vector<1024x128xf32>
    %eq3A_101 = arith.cmpf oeq, %select_n3A_96, %eq3A_100 : vector<1024x128xf32>
    %jit3A_102 = arith.constant 128 : i32
    %broadcast_in_dim3A_103 = vector.broadcast %jit3A_102 : i32 to vector<1024x128xi32>
    %select_n3A_104 = arith.select %eq3A_101, %iota3A_80, %broadcast_in_dim3A_103 : vector<1024x128xi1>, vector<1024x128xi32>
    %reduce_min3A_105 = arith.constant dense<2147483647> : vector<1024xi32>
    %reduce_min3A_106 = vector.multi_reduction <minsi>, %select_n3A_104, %reduce_min3A_105 [1] : vector<1024x128xi32> to vector<1024xi32>
    %broadcast_in_dim3A_107 = vector.shape_cast %reduce_min3A_106 : vector<1024xi32> to vector<1024x1xi32>
    %eq3A_108 = vector.broadcast %broadcast_in_dim3A_107 : vector<1024x1xi32> to vector<1024x128xi32>
    %eq3A_109 = arith.cmpi eq, %iota3A_80, %eq3A_108 : vector<1024x128xi32>
    %jit3A_110 = arith.constant 0x7F800000 : f32
    %broadcast_in_dim3A_111 = vector.broadcast %jit3A_110 : f32 to vector<1024x128xf32>
    %select_n3A_112 = arith.select %eq3A_109, %broadcast_in_dim3A_111, %select_n3A_96 : vector<1024x128xi1>, vector<1024x128xf32>
    %reduce_min3A_113 = arith.constant dense<0x7F800000> : vector<1024xf32>
    %reduce_min3A_114 = vector.multi_reduction <minimumf>, %select_n3A_112, %reduce_min3A_113 [1] : vector<1024x128xf32> to vector<1024xf32>
    %broadcast_in_dim3A_115 = vector.shape_cast %reduce_min3A_114 : vector<1024xf32> to vector<1024x1xf32>
    %eq3A_116 = vector.broadcast %broadcast_in_dim3A_115 : vector<1024x1xf32> to vector<1024x128xf32>
    %eq3A_117 = arith.cmpf oeq, %select_n3A_112, %eq3A_116 : vector<1024x128xf32>
    %jit3A_118 = arith.constant 128 : i32
    %broadcast_in_dim3A_119 = vector.broadcast %jit3A_118 : i32 to vector<1024x128xi32>
    %select_n3A_120 = arith.select %eq3A_117, %iota3A_80, %broadcast_in_dim3A_119 : vector<1024x128xi1>, vector<1024x128xi32>
    %reduce_min3A_121 = arith.constant dense<2147483647> : vector<1024xi32>
    %reduce_min3A_122 = vector.multi_reduction <minsi>, %select_n3A_120, %reduce_min3A_121 [1] : vector<1024x128xi32> to vector<1024xi32>
    %broadcast_in_dim3A_123 = vector.shape_cast %reduce_min3A_122 : vector<1024xi32> to vector<1024x1xi32>
    %eq3A_124 = vector.broadcast %broadcast_in_dim3A_123 : vector<1024x1xi32> to vector<1024x128xi32>
    %eq3A_125 = arith.cmpi eq, %iota3A_80, %eq3A_124 : vector<1024x128xi32>
    %jit3A_126 = arith.constant 0x7F800000 : f32
    %broadcast_in_dim3A_127 = vector.broadcast %jit3A_126 : f32 to vector<1024x128xf32>
    %select_n3A_128 = arith.select %eq3A_125, %broadcast_in_dim3A_127, %select_n3A_112 : vector<1024x128xi1>, vector<1024x128xf32>
    %reduce_min3A_129 = arith.constant dense<0x7F800000> : vector<1024xf32>
    %reduce_min3A_130 = vector.multi_reduction <minimumf>, %select_n3A_128, %reduce_min3A_129 [1] : vector<1024x128xf32> to vector<1024xf32>
    %broadcast_in_dim3A_131 = vector.shape_cast %reduce_min3A_130 : vector<1024xf32> to vector<1024x1xf32>
    %eq3A_132 = vector.broadcast %broadcast_in_dim3A_131 : vector<1024x1xf32> to vector<1024x128xf32>
    %eq3A_133 = arith.cmpf oeq, %select_n3A_128, %eq3A_132 : vector<1024x128xf32>
    %jit3A_134 = arith.constant 128 : i32
    %broadcast_in_dim3A_135 = vector.broadcast %jit3A_134 : i32 to vector<1024x128xi32>
    %select_n3A_136 = arith.select %eq3A_133, %iota3A_80, %broadcast_in_dim3A_135 : vector<1024x128xi1>, vector<1024x128xi32>
    %reduce_min3A_137 = arith.constant dense<2147483647> : vector<1024xi32>
    %reduce_min3A_138 = vector.multi_reduction <minsi>, %select_n3A_136, %reduce_min3A_137 [1] : vector<1024x128xi32> to vector<1024xi32>
    %broadcast_in_dim3A_139 = vector.shape_cast %reduce_min3A_138 : vector<1024xi32> to vector<1024x1xi32>
    %eq3A_140 = vector.broadcast %broadcast_in_dim3A_139 : vector<1024x1xi32> to vector<1024x128xi32>
    %eq3A_141 = arith.cmpi eq, %iota3A_80, %eq3A_140 : vector<1024x128xi32>
    %jit3A_142 = arith.constant 0x7F800000 : f32
    %broadcast_in_dim3A_143 = vector.broadcast %jit3A_142 : f32 to vector<1024x128xf32>
    %select_n3A_144 = arith.select %eq3A_141, %broadcast_in_dim3A_143, %select_n3A_128 : vector<1024x128xi1>, vector<1024x128xf32>
    %reduce_min3A_145 = arith.constant dense<0x7F800000> : vector<1024xf32>
    %reduce_min3A_146 = vector.multi_reduction <minimumf>, %select_n3A_144, %reduce_min3A_145 [1] : vector<1024x128xf32> to vector<1024xf32>
    %broadcast_in_dim3A_147 = vector.shape_cast %reduce_min3A_146 : vector<1024xf32> to vector<1024x1xf32>
    %eq3A_148 = vector.broadcast %broadcast_in_dim3A_147 : vector<1024x1xf32> to vector<1024x128xf32>
    %eq3A_149 = arith.cmpf oeq, %select_n3A_144, %eq3A_148 : vector<1024x128xf32>
    %jit3A_150 = arith.constant 128 : i32
    %broadcast_in_dim3A_151 = vector.broadcast %jit3A_150 : i32 to vector<1024x128xi32>
    %select_n3A_152 = arith.select %eq3A_149, %iota3A_80, %broadcast_in_dim3A_151 : vector<1024x128xi1>, vector<1024x128xi32>
    %reduce_min3A_153 = arith.constant dense<2147483647> : vector<1024xi32>
    %reduce_min3A_154 = vector.multi_reduction <minsi>, %select_n3A_152, %reduce_min3A_153 [1] : vector<1024x128xi32> to vector<1024xi32>
    %broadcast_in_dim3A_155 = vector.shape_cast %reduce_min3A_154 : vector<1024xi32> to vector<1024x1xi32>
    %concatenate3A = tpu.concatenate %broadcast_in_dim3A_83, %broadcast_in_dim3A_99, %broadcast_in_dim3A_115, %broadcast_in_dim3A_131, %broadcast_in_dim3A_147 in 1 : vector<1024x1xf32>, vector<1024x1xf32>, vector<1024x1xf32>, vector<1024x1xf32>, vector<1024x1xf32> -> vector<1024x5xf32>
    %swap3A_156 = arith.constant 0 : index
    %swap3A_157 = arith.constant 0 : index
    %swap3A_158 = vector.load %arg3[%swap3A_156, %swap3A_157] : memref<1024x5xf32, #tpu.memory_space<vmem>>, vector<1024x5xf32>
    tpu.vector_store %arg3[%swap3A_156, %swap3A_157], %concatenate3A {strides = array<i32>} : memref<1024x5xf32, #tpu.memory_space<vmem>>, vector<1024x5xf32>,
    %concatenate3A_159 = tpu.concatenate %broadcast_in_dim3A_91, %broadcast_in_dim3A_107, %broadcast_in_dim3A_123, %broadcast_in_dim3A_139, %broadcast_in_dim3A_155 in 1 : vector<1024x1xi32>, vector<1024x1xi32>, vector<1024x1xi32>, vector<1024x1xi32>, vector<1024x1xi32> -> vector<1024x5xi32>
    %swap3A_160 = arith.constant 0 : index
    %swap3A_161 = arith.constant 0 : index
    %swap3A_162 = vector.load %arg4[%swap3A_160, %swap3A_161] : memref<1024x5xi32, #tpu.memory_space<vmem>>, vector<1024x5xi32>
    tpu.vector_store %arg4[%swap3A_160, %swap3A_161], %concatenate3A_159 {strides = array<i32>} : memref<1024x5xi32, #tpu.memory_space<vmem>>, vector<1024x5xi32>,
    return
  }
}

module attributes {stable_mosaic.version = 14 : i64} {
  func.func @_gather_kernel(%arg0: i32, %arg1: memref<1x1x256xi32, #tpu.memory_space<vmem>>, %arg2: memref<128x3840xf32, #tpu.memory_space<vmem>>, %arg3: memref<256x3840xf32, #tpu.memory_space<vmem>>) attributes {dimension_semantics = [#tpu.dimension_semantics<arbitrary>], iteration_bounds = array<i64: 20>, scalar_prefetch = 0 : i64, scratch_operands = 0 : i64, tpu.core_type = #tpu.core_type<tc>, window_params = [{transform_indices = @transform_0, window_bounds = array<i64: 1, 1, 256>}, {pipeline_mode = #tpu.pipeline_mode<synchronous>, transform_indices = @transform_1, window_bounds = array<i64: 128, 3840>}, {transform_indices = @transform_2, window_bounds = array<i64: 256, 3840>}]} {
    %get3A = arith.constant 0 : index
    %get3A_0 = arith.constant 0 : index
    %get3A_1 = arith.constant 0 : index
    %get3A_2 = vector.load %arg1[%get3A, %get3A_0, %get3A_1] : memref<1x1x256xi32, #tpu.memory_space<vmem>>, vector<1x1x256xi32>
    %get3A_3 = vector.shape_cast %get3A_2 : vector<1x1x256xi32> to vector<1x256xi32>
    %iota3A = tpu.iota {dimensions = array<i32: 0>} : vector<128x256xi32>
    %eq3A = vector.broadcast %get3A_3 : vector<1x256xi32> to vector<128x256xi32>
    %eq3A_4 = arith.cmpi eq, %iota3A, %eq3A : vector<128x256xi32>
    %convert_element_type3A = arith.extui %eq3A_4 : vector<128x256xi1> to vector<128x256xi32>
    %convert_element_type3A_5 = arith.sitofp %convert_element_type3A : vector<128x256xi32> to vector<128x256xf32>
    %get3A_6 = arith.constant 0 : index
    %get3A_7 = arith.constant 0 : index
    %get3A_8 = vector.load %arg2[%get3A_6, %get3A_7] : memref<128x3840xf32, #tpu.memory_space<vmem>>, vector<128x3840xf32>
    %dot_general3A = arith.constant dense<0.000000e+00> : vector<256x3840xf32>
    %dot_general3A_9 = tpu.matmul %convert_element_type3A_5, %get3A_8, %dot_general3A {dimension_numbers = #tpu.dot_dimension_numbers<[0], [0], [1], [1], [0, 1, 1, 1], [], []>, precision = #tpu.contract_precision<fp32>, transpose_lhs_hint = false} : vector<128x256xf32>, vector<128x3840xf32>, vector<256x3840xf32> -> vector<256x3840xf32>
    %swap3A = arith.constant 0 : index
    %swap3A_10 = arith.constant 0 : index
    %swap3A_11 = vector.load %arg3[%swap3A, %swap3A_10] : memref<256x3840xf32, #tpu.memory_space<vmem>>, vector<256x3840xf32>
    tpu.vector_store %arg3[%swap3A, %swap3A_10], %dot_general3A_9 {strides = array<i32>} : memref<256x3840xf32, #tpu.memory_space<vmem>>, vector<256x3840xf32>,
    return
  }
  func.func @transform_0(%arg0: i32) -> (i32, i32, i32) {
    %c0_i32 = arith.constant 0 : i32
    %c0_i32_0 = arith.constant 0 : i32
    %c0_i32_1 = arith.constant 0 : i32
    return %arg0, %c0_i32, %c0_i32_0 : i32, i32, i32
  }
  func.func @transform_1(%arg0: i32) -> (i32, i32) {
    %c0_i32 = arith.constant 0 : i32
    %c0_i32_0 = arith.constant 0 : i32
    %c0_i32_1 = arith.constant 0 : i32
    return %c0_i32, %c0_i32_0 : i32, i32
  }
  func.func @transform_2(%arg0: i32) -> (i32, i32) {
    %c0_i32 = arith.constant 0 : i32
    %c0_i32_0 = arith.constant 0 : i32
    return %arg0, %c0_i32 : i32, i32
  }
}

</mosaic_0001>

<sc_bundles>
// kernel: sparse-core-data-format-call.cloned.1.call-start
scs
called_computation_lowered:
.L_overlay_start_0:
0x0: {  	s2 =	sld [smem:$0x3FD9]  }
0x1: {  	s3 =	sld [smem:$0x3FFE];
	_ =	sdelay $0x1  }
0x2: {  	s1 =	srdreg.scid  }
0x3: {  	s0 =	sand.u32 $0x1, s1  }
0x4: {  	s15 =	sshll.u32 s0, $0xA;
	s2 =	sadd.s32 s3, s2  }
0x5: {  	s2 =	sadd.s32 s2, s15  }
0x6: {  	[smem:$0x3FC4] =	sst s2  }
0x7: {  	_ = 	snop  }
0x8: {  	s2 =	sld [smem:$0x3FD0];
	_ =	sdelay $0x2  }
0x9: {  	s16 =	simm.s32 $0xA;
	s4 =	simm.s32 $0x10  }
0xa: {  	[smem:s4], [sflag:s16] =	dma.local [hbm:s2], $0x1  }
0xb: {  	_ =	swait.eq [sflag:s16], $0x1  }
0xc: {  	[sflag:s16] =	ssyncset.done $0x0  }
0xd: {  	[sflag:s16] =	ssyncadd.s32 $0xFFFFFFFF  }
0xe: {  	s17 =	sld [smem:$0x11];
	(tm) =	ssettm $0x1  }
0xf: {  	s18 =	sld [smem:$0x3FFB];
	_ =	sdelay $0x3  }
0x10: {  	_ =	strace s18  }
0x11: {  	s3 =	sld [smem:$0x3FFC];
	_ =	sdelay $0x3  }
0x12: {  	_ =	strace s3  }
0x13: {  	s3 =	sld [smem:$0x3FFD];
	_ =	sdelay $0x3  }
0x14: {  	_ =	strace s3  }
0x15: {  	_ =	strace $0x8FFFFFFF  }
0x16: {  	s19 =	sld [smem:$0x3FDB];
	_ =	sdelay $0x1  }
0x17: {  	s20 =	simm.s32 $_scs_section_size  }
0x18: {  	s5 =	simm.s32 $_size__tile_overlayer_lowered;
	s6 =	simm.s32 $_tile_overlayer_lowered  }
0x19: {  	s23 =	simm.s32 $0x1BFF;
	s22 =	sshll.u32 s6, $0x1;
	s3 =	sadd.s32 s20, s19  }
0x1a: {  	s7 =	simm.s32 $0x0;
	s21 =	sshll.u32 s5, $0x1;
	s5 =	sadd.s32 s22, s3  }
0x1b: {  	[timem:s7], [sflag:s23] =	dma.local [hbm:s5], s21  }
0x1c: {  	_ =	swait.ge [sflag:s23], s21  }
0x1d: {  	s4 =	ssub.s32 $0x0, s21;
	[sflag:s23] =	ssyncset.done $0x0  }
0x1e: {  	[sflag:s23] =	ssyncadd.s32 s4;
	_ =	sdelay $0x1  }
0x1f: {  	s24 =	simm.s32 $0x1B8B  }
0x20: {  	_ =	swait.ge [sflag:s24], $0x1  }
0x21: {  	[sflag:s24] =	ssyncset.done $0x0  }
0x22: {  	s26 =	simm.s32 $0x1B8E;
	s25 =	sld [smem:$0x3FFE];
	[sflag:s24] =	ssyncadd.s32 $0xFFFFFFFF  }
0x23: {  	s27 =	simm.s32 $execute0_lowered;
	[smem:$0x3FD2] =	sst s26  }
0x24: {  	s5 =	sshll.u32 s27, $0x1;
	_ =	strace $0x80000046;
	[dreg:$0x1] =	wrdreg $0xFFFFFFFF  }
0x25: {  	s28 =	simm.s32 $_size_execute0_lowered;
	s3 =	sadd.s32 s3, s5;
	[dreg:$0x0] =	wrdreg $0x0  }
0x26: {  	s5 =	sshll.u32 s28, $0x1;
	[dreg:$0x2] =	wrdreg s3  }
0x27: {  	[dreg:$0x3] =	wrdreg s5  }
0x28: {  	[dreg:$0x4] =	wrdreg $0xC0  }
0x29: {  	_ =	task [dreg:s7], $0x5FFFF  }
0x2a: {  	[dreg:$0x1] =	wrdreg $0xFFFFFFFF  }
0x2b: {  	[dreg:$0x0] =	wrdreg $0x60  }
0x2c: {  	[dreg:$0x2] =	wrdreg s25  }
0x2d: {  	[dreg:$0x3] =	wrdreg s17  }
0x2e: {  	[dreg:$0x4] =	wrdreg $0x9  }
0x2f: {  	_ =	task.clear_ibuf [dreg:s7], $0x5FFFF;
	_ =	strace $0x90000046  }
0x30: {  	s29 =	simm.s32 $0x9;
	_ =	strace $0x80000048  }
0x31: {  	_ =	swait.ge [sflag:s29], $0x1  }
0x32: {  	[sflag:s29] =	ssyncadd.s32 $0xFFFFFFFF  }
0x33: {  	_ =	strace $0x90000048  }
0x34: {  	_ =	sfence  }
0x35: {  	s30 =	sld [smem:$0x0];
	_ =	sdelay $0x2  }
0x36: {  	s31 =	sshll.u32 s1, $0xD;
	s1 =	sshrl.u32 s1, $0x2  }
0x37: {  	s3 =	sand.u32 $0x4000, s31;
	s1 =	sadd.s32 s1, s30  }
0x38: {  	s0 =	sor.u32 s3, s0;
	s1 =	sshll.u32 s1, $0x11  }
0x39: {  	s0 =	sor.u32 s1, s0  }
0x3a: {  	s0 =	sadd.s32 $0x8F2B, s0  }
0x3b: {  	[sflag:s0] =	ssyncadd.remote.s32 $0x1  }
0x3c: {  	_ =	sfence.sel $0xFFFF  }
0x3d: {  	[dreg:$0x0] =	wrdreg $0xFFFFFFFF;
	(pc) =	sbr.abs _section_cstart, $3  }
0x3e: {  	[dreg:$0x1] =	wrdreg $0xFFFFFFFF  }
0x3f: {  	_ =	task.clear_ibuf [dreg:s7], $0x2FFFF;
	_ =	strace $0x9FFFFFFF  }
0x40: {  	(tm) =	ssettm $0x7FFFFFFF  }
0x41: {  	_ =	shalt  }
tec
execute0_lowered:
.L_overlay_start_1:
0x0: {  	(tag) =	ssettag $0x1  }
0x1: {  	s0 =	stileid.u32  }
0x2: {  	s1 =	srdreg.scid;
	s7 =	rddreg [dreg:$0x0];
	s8 =	simm.s32 $0x2  }
0x3: {  	s2 =	sshll.u32 s0, $0x7;
	s3 =	sshll.u32 s0, $0x4;
	s4 =	sshll.u32 s1, $0x8  }
0x4: {  	s18 =	simm.s32 $0x0;
	s1 =	sand.u32 $0x380, s2;
	s29 =	sor.u32 s3, s4  }
0x5: {  	s9 =	simm.s32 $0x1800;
	s2 =	sand.u32 $0x180, s29;
	s30 =	ssub.s32 $0x400, s1  }
0x6: {  	s10 =	simm.s32 $0x0;
	s31 =	sand.u32 $0x380, s30;
	s5 =	ssub.s32 $0x300, s2  }
0x7: {  	s4 =	simm.s32 $0x1;
	p0 =	sne.s32 s31, $0x0;
	s6 =	sand.u32 $0x180, s5  }
0x8: {  	s4 =	simm.s32 @!p0 $0x0;
	p0 =	sne.s32 s6, $0x0;
	s6 =	simm.s32 $0x1  }
0x9: {  	s3 =	sshrl.u32 s30, $0xA;
	s5 =	sshrl.u32 s5, $0x9;
	s6 =	simm.s32 @!p0 $0x0  }
0xa: {  	s16 =	simm.s32 $0x0;
	s3 =	sadd.s32 s4, s3;
	s5 =	sadd.s32 s6, s5  }
0xb: {  	s17 =	simm.s32 $0x0;
	s19 =	simm.s32 $0x0;
	s6 =	smul.u32 s5, s3  }
.Ltmp0:
0xc: {  	s12 =	simm.s32 $0x0;
	s4 =	rddreg [dreg:$0x1];
	(pc) =	sbr.rel .LBB1_1-.Ltmp0, $4  }
0xd: {  	s13 =	simm.s32 $0x0;
	s15 =	simm.s32 $0x0;
	s3 =	rddreg [dreg:$0x2]  }
0xe: {  	_ =	strace $0x80000047;
	s5 =	simm.s32 $0x1;
	s6 =	smul.u32 $0x19, s6  }
0xf: {  	s7 =	sadd.s32 $0x5000, s7;
	s14 =	smov.u32 s1;
	[sflag:s5] =	ssyncpa.u1 $0x0  }
0x10: {  	s11 =	smov.u32 s2;
	[sflag:s8] =	ssyncpa.u1 $0x0;
	s8 =	sadd.s32 $0x1, s6  }
.LBB1_4:
0x11: {  	_ =	sdelay $0x2  }
0x12: {  	s23 =	sshrl.u32 s19, $0x3  }
0x13: {  	s24 =	sshll.u32 s18, $0x3;
	[tilespmem:v0+s22+$0xFFFFFFD0 ss:$0x1] =	vst.idx.msk $0xffff, v7;
	s23 =	smul.u32 $0x1800, s23  }
0x14: {  	s27 =	sshll.u32 s19, $0x7;
	v56 =	vld.idx.msk [tilespmem:v1+s21+$0x0 ss:$0x1], $0xffff;
	[tilespmem:v0+s22+$0xFFFFFFE0 ss:$0x1] =	vst.idx.msk $0xffff, v5;
	s24 =	sand.u32 $0xFFFFFC00, s24  }
0x15: {  	v57 =	vld.idx.msk [tilespmem:v1+s21+$0xFFFFFF90 ss:$0x1], $0xffff;
	[tilespmem:v0+s22+$0xFFFFFFF0 ss:$0x1] =	vst.idx.msk $0xffff, v4;
	s19 =	sand.u32 $0x380, s27;
	s23 =	sadd.s32 s23, s24  }
0x16: {  	s28 =	sand.u32 $0x7F, s18;
	v58 =	vld.idx.msk [tilespmem:v1+s21+$0xFFFFFFA0 ss:$0x1], $0xffff;
	[tilespmem:v0+s22+$0x0 ss:$0x1] =	vst.idx.msk $0xffff, v2;
	s19 =	sor.u32 s19, s23  }
0x17: {  	v59 =	vld.idx.msk [tilespmem:v1+s21+$0xFFFFFFB0 ss:$0x1], $0xffff;
	[tilespmem:v0+s22+$0x10 ss:$0x1] =	vst.idx.msk $0xffff, v3;
	s18 =	sor.u32 s28, s19  }
0x18: {  	[tilespmem:v0+s22+$0x20 ss:$0x1] =	vst.idx.msk $0xffff, v6;
	v60 =	vld.idx.msk [tilespmem:v1+s21+$0xFFFFFFC0 ss:$0x1], $0xffff;
	s29 =	smulhi.u32 $0xAAAAAAAB, s18  }
0x19: {  	v61 =	vld.idx.msk [tilespmem:v1+s21+$0xFFFFFFD0 ss:$0x1], $0xffff;
	[tilespmem:v0+s21+$0x30 ss:$0x1] =	vst.idx.msk $0xffff, v56;
	s19 =	smulhi.u32 $0xAAAAAAAB, s19  }
0x1a: {  	v62 =	vld.idx.msk [tilespmem:v1+s21+$0xFFFFFFE0 ss:$0x1], $0xffff;
	s17 =	smul.u32 $0x78000, s17;
	[tilespmem:v0+s21+$0xFFFFFFC0 ss:$0x1] =	vst.idx.msk $0xffff, v57;
	s30 =	sshrl.u32 s29, $0x9  }
0x1b: {  	v63 =	vld.idx.msk [tilespmem:v1+s21+$0xFFFFFFF0 ss:$0x1], $0xffff;
	[tilespmem:v0+s21+$0xFFFFFFD0 ss:$0x1] =	vst.idx.msk $0xffff, v58;
	s19 =	sshrl.u32 s19, $0x9;
	s22 =	smul.u32 $0x300, s30  }
0x1c: {  	s16 =	smul.u32 $0x18000, s16;
	[tilespmem:v0+s21+$0xFFFFFFE0 ss:$0x1] =	vst.idx.msk $0xffff, v59;
	s19 =	sand.u32 $0x3FF, s19  }
0x1d: {  	s17 =	sadd.s32 s4, s17;
	[tilespmem:v0+s21+$0xFFFFFFF0 ss:$0x1] =	vst.idx.msk $0xffff, v60;
	s19 =	smul.u32 $0x60, s19;
	s18 =	ssub.s32 s18, s22  }
0x1e: {  	s16 =	sadd.s32 s16, s17;
	[tilespmem:v0+s21+$0x0 ss:$0x1] =	vst.idx.msk $0xffff, v61;
	s31 =	sand.u32 $0x7, s18  }
0x1f: {  	[tilespmem:v0+s21+$0x10 ss:$0x1] =	vst.idx.msk $0xffff, v62;
	s16 =	sadd.s32 s19, s16;
	s18 =	sshrl.u32 s18, $0x3;
	s17 =	sshll.u32 s31, $0x12  }
0x20: {  	[tilespmem:v0+s21+$0x20 ss:$0x1] =	vst.idx.msk $0xffff, v63;
	s16 =	sadd.s32 s18, s16;
	s17 =	sor.u32 $0x400, s17  }
0x21: {  	[hbm4b:s16+s17] =	stream.strided.scatter [tilespmem:s20], [sflag:$0x2], $0x4000, s9, s17, $0x38;
	[tilespmem:$0x10000] =	vst v63  }
.LBB1_5:
0x22: {  	s20 =	sadd.s32 $0x200, s11  }
0x23: {  	s16 =	simm.s32 $0x1;
	p1 =	sgt.s32 s20, $0x2FF  }
0x24: {  	s16 =	simm.s32 @!p1 $0x0  }
0x25: {  	s21 =	sadd.s32 s16, s12  }
0x26: {  	s16 =	simm.s32 $0x1;
	p2 =	sgt.s32 s21, $0x4  }
0x27: {  	s16 =	simm.s32 @!p2 $0x0  }
0x28: {  	s22 =	sadd.s32 s16, s13  }
0x29: {  	s23 =	smov.u32 s14;
	s16 =	sadd.s32 $0x400, s14;
	p3 =	sgt.s32 s22, $0x4  }
0x2a: {  	p0 =	slt.u32 s15, $0x2;
	s23 =	smov.u32 @p3 s16  }
0x2b: {  	s18 =	smov.u32 s11;
	s20 =	smov.u32 @p1 s2;
	p1 =	sgt.s32 s23, $0x3FF  }
0x2c: {  	s24 =	simm.s32 @!p0 $0x2;
	s23 =	smov.u32 @p1 s1;
	p1 =	sne.s32 s15, s8  }
.Ltmp1:
0x2d: {  	s17 =	smov.u32 s13;
	_ =	swait.ge @!p0 [sflag:s24], $0x4000;
	(pc) =	sbr.rel @!p1 .LBB1_6-.Ltmp1, $4  }
0x2e: {  	s19 =	smov.u32 s14;
	s10 =	sadd.s32 $0x4000, s10;
	[sflag:s24] =	ssyncset.done @!p0 $0x0  }
0x2f: {  	s11 =	smov.u32 s20;
	[sflag:s24] =	ssyncadd.s32 @!p0 $0xFFFFC000;
	s21 =	simm.s32 @p2 $0x0  }
0x30: {  	s22 =	simm.s32 @p3 $0x0;
	s16 =	smov.u32 s12;
	s12 =	smov.u32 s21  }
0x31: {  	s13 =	smov.u32 s22;
	s15 =	sadd.s32 $0x1, s15;
	s14 =	smov.u32 s23  }
.LBB1_1:
0x32: {  	p0 =	sge.u32 s15, s6  }
0x33: {  	s20 =	sshrl.u32 @!p0 s12, $0x3  }
0x34: {  	s21 =	sshll.u32 @!p0 s11, $0x3;
	s20 =	smul.u32 @!p0 $0x1800, s20  }
0x35: {  	s22 =	sshll.u32 @!p0 s12, $0x7;
	s21 =	sand.u32 @!p0 $0xFFFFFC00, s21  }
0x36: {  	s20 =	sadd.s32 @!p0 s20, s21;
	s21 =	sand.u32 @!p0 $0x380, s22  }
0x37: {  	s22 =	sand.u32 @!p0 $0x7F, s11;
	s20 =	sor.u32 @!p0 s21, s20  }
0x38: {  	s21 =	sor.u32 @!p0 s22, s20  }
0x39: {  	s22 =	smulhi.u32 @!p0 $0xAAAAAAAB, s21  }
0x3a: {  	s20 =	smulhi.u32 @!p0 $0xAAAAAAAB, s20  }
0x3b: {  	s31 =	sadd.s32 $0xFFFFFFFF, s15;
	s24 =	smul.u32 @!p0 $0xF00, s14;
	s22 =	sshrl.u32 @!p0 s22, $0x9  }
0x3c: {  	s23 =	sxor.u32 @!p0 $0xFFFFFFFF, s15;
	s20 =	sshrl.u32 @!p0 s20, $0x9;
	s22 =	smul.u32 @!p0 $0x300, s22  }
0x3d: {  	s25 =	smul.u32 @!p0 $0x300, s13;
	s23 =	sshll.u32 @!p0 s23, $0xE;
	s20 =	sand.u32 @!p0 $0x7, s20  }
0x3e: {  	s20 =	smul.u32 @!p0 $0x60, s20;
	s21 =	ssub.s32 @!p0 s21, s22;
	s22 =	sadd.s32 @!p0 s7, s24  }
0x3f: {  	s23 =	sand.u32 @!p0 $0x4000, s23;
	s22 =	sadd.s32 @!p0 s25, s22;
	s24 =	sand.u32 @!p0 $0x7, s21  }
0x40: {  	s21 =	sshrl.u32 @!p0 s21, $0x3;
	s20 =	sadd.s32 @!p0 s20, s22;
	s22 =	sshll.u32 @!p0 s24, $0x12  }
0x41: {  	s20 =	sadd.s32 @!p0 s21, s20;
	s21 =	sor.u32 @!p0 $0x80, s22;
	s22 =	simm.s32 @!p0 $0x7800  }
0x42: {  	[tilespmem:s23], [sflag:$0x1] =	stream.strided.gather @!p0 [hbm4b:s20+s21], $0x4000, s22, s21, $0x38;
	[tilespmem:$0x10000] =	vst v63  }
0x43: {  	p0 =	sge.u32 s31, s6  }
.Ltmp2:
0x44: {  	_ = 	snop;
	(pc) =	sbr.rel @p0 .LBB1_5-.Ltmp2, $1  }
0x45: {  	_ =	sdelay $0x3  }
0x46: {  	s20 =	sand.u32 $0x4000, s10  }
0x47: {  	s21 =	sor.u32 $0x70, s20  }
0x48: {  	v1 =	vmov s21;
	_ =	sdelay $0x1  }
0x49: {  	_ =	swait.ge [sflag:s5], $0x4000  }
0x4a: {  	[sflag:s5] =	ssyncset.done $0x0  }
0x4b: {  	s22 =	simm.s32 $0x0;
	[sflag:s5] =	ssyncadd.s32 $0xFFFFC000  }
0x4c: {  	s20 =	sor.u32 $0x8040, s20;
	v6 =	vld.idx.msk [tilespmem:v1+s22+$0x0 ss:$0x1], $0xffff  }
0x4d: {  	v0 =	vmov s20;
	v8 =	vld.idx.msk [tilespmem:v1+s22+$0xFFFFFF90 ss:$0x1], $0xffff  }
0x4e: {  	v7 =	vld.idx.msk [tilespmem:v1+s22+$0xFFFFFFA0 ss:$0x1], $0xffff  }
0x4f: {  	v5 =	vld.idx.msk [tilespmem:v1+s22+$0xFFFFFFB0 ss:$0x1], $0xffff  }
0x50: {  	v4 =	vld.idx.msk [tilespmem:v1+s22+$0xFFFFFFC0 ss:$0x1], $0xffff  }
0x51: {  	s31 =	sshll.u32 s15, $0xE;
	v2 =	vld.idx.msk [tilespmem:v1+s22+$0xFFFFFFD0 ss:$0x1], $0xffff  }
0x52: {  	s20 =	sand.u32 $0x4000, s31;
	v3 =	vld.idx.msk [tilespmem:v1+s22+$0xFFFFFFE0 ss:$0x1], $0xffff;
	[tilespmem:v0+s22+$0x30 ss:$0x1] =	vst.idx.msk $0xffff, v6  }
0x53: {  	s23 =	simm.s32 $0x400;
	s21 =	simm.s32 $0x80;
	s20 =	sor.u32 $0x8000, s20;
	[tilespmem:v0+s22+$0xFFFFFFC0 ss:$0x1] =	vst.idx.msk $0xffff, v8;
	v6 =	vld.idx.msk [tilespmem:v1+s22+$0xFFFFFFF0 ss:$0x1], $0xffff  }
.LBB1_3:
0x54: {  	p0 =	sne.s32 s23, $0xFE00;
	v8 =	vld.idx.msk [tilespmem:v1+s21+$0x0 ss:$0x1], $0xffff;
	[tilespmem:v0+s22+$0xFFFFFFD0 ss:$0x1] =	vst.idx.msk $0xffff, v7  }
0x55: {  	v9 =	vld.idx.msk [tilespmem:v1+s21+$0xFFFFFF90 ss:$0x1], $0xffff;
	[tilespmem:v0+s22+$0xFFFFFFE0 ss:$0x1] =	vst.idx.msk $0xffff, v5  }
0x56: {  	v7 =	vld.idx.msk [tilespmem:v1+s21+$0xFFFFFFA0 ss:$0x1], $0xffff;
	[tilespmem:v0+s22+$0xFFFFFFF0 ss:$0x1] =	vst.idx.msk $0xffff, v4  }
.Ltmp3:
0x57: {  	v5 =	vld.idx.msk [tilespmem:v1+s21+$0xFFFFFFB0 ss:$0x1], $0xffff;
	[tilespmem:v0+s22+$0x0 ss:$0x1] =	vst.idx.msk $0xffff, v2;
	(pc) =	sbr.rel @p0 .LBB1_3-.Ltmp3, $4  }
0x58: {  	v4 =	vld.idx.msk [tilespmem:v1+s21+$0xFFFFFFC0 ss:$0x1], $0xffff;
	[tilespmem:v0+s22+$0x10 ss:$0x1] =	vst.idx.msk $0xffff, v3  }
0x59: {  	v2 =	vld.idx.msk [tilespmem:v1+s21+$0xFFFFFFD0 ss:$0x1], $0xffff;
	[tilespmem:v0+s22+$0x20 ss:$0x1] =	vst.idx.msk $0xffff, v6;
	s22 =	smov.u32 s21  }
0x5a: {  	v3 =	vld.idx.msk [tilespmem:v1+s22+$0xFFFFFFE0 ss:$0x1], $0xffff;
	[tilespmem:v0+s22+$0x30 ss:$0x1] =	vst.idx.msk $0xffff, v8  }
0x5b: {  	s21 =	sshra.s32 s23, $0x2;
	s23 =	sadd.s32 $0x200, s23;
	[tilespmem:v0+s22+$0xFFFFFFC0 ss:$0x1] =	vst.idx.msk $0xffff, v9;
	v6 =	vld.idx.msk [tilespmem:v1+s22+$0xFFFFFFF0 ss:$0x1], $0xffff  }
.Ltmp4:
0x5c: {  	_ = 	snop;
	(pc) =	sbr.rel .LBB1_4-.Ltmp4, $1  }
0x5d: {  	_ =	sdelay $0x3  }
.LBB1_6:
0x5e: {  	_ =	sfence.sel $0x180000  }
0x5f: {  	s1 =	simm.s32 $0x1;
	[bflag:$0x0] =	sbarrier.arrive $0xFFFF  }
0x60: {  	s31 =	simm.s32 $0x2;
	[sflag:s1] =	ssyncpa.u1 $0x1  }
0x61: {  	[sflag:s31] =	ssyncpa.u1 $0x1  }
0x62: {  	p0 =	sne.s32 s0, $0x0;
	_ =	strace $0x90000047  }
0x63: {  	s0 =	sadd.s32 @!p0 $0x100000, s3;
	[bflag:$0x2] =	sbarrier.arrive $0xFFFF  }
0x64: {  	[sflag:s0] =	ssyncadd.tile.s32 @!p0 $0x1;
	_ =	shalt  }
.Lfunc_end1:
_tile_overlayer_lowered:
.L_overlay_start_2:
0x65: {  	(tag) =	ssettag $0x2  }
0x66: {  	s0 =	rddreg [dreg:$0x0];
	s2 =	stileid.u32  }
0x67: {  	s1 =	rddreg [dreg:$0x1];
	p0 =	sne.s32 s2, $0x0  }
0x68: {  	s3 =	rddreg [dreg:$0x2];
	[bflag:$0x3] =	sbarrier.arrive $0xFFFF;
	s2 =	simm.s32 @!p0 $0x1C01  }
0x69: {  	[timem:s3], [sflag:s2] =	dma.local @!p0 [hbm:s0], s1  }
0x6a: {  	s0 =	simm.s32 @!p0 $0x1  }
0x6b: {  	_ =	swait.ge @!p0 [sflag:s0], s1  }
0x6c: {  	s1 =	ssub.s32 @!p0 $0x0, s1;
	[sflag:s0] =	ssyncset.done @!p0 $0x0  }
0x6d: {  	[sflag:s0] =	ssyncadd.s32 @!p0 s1  }
0x6e: {  	[bflag:$0x3] =	sbarrier.arrive $0xFFFF  }
0x6f: {  	_ =	shalt  }

</sc_bundles>
